<compile_context>
chip_gen: v7x
topology: tpu7x:2x2x1
jax: 0.10.2.dev20260603
libtpu: 0.0.44.dev20260713+nightly
codegen_flags: <defaults>
</compile_context>

<pallas_src>
import jax
import jax.numpy as jnp
from jax import lax
from jax.experimental import pallas as pl
from jax.experimental.pallas import tpu as pltpu
from jax.experimental.pallas import tpu_sc as plsc

B = 16384
D = 64
NC = 2
NS = 16
NW = NC * NS
BPW = B // NW


def _gather6_body(h_i, r_i, t_i, he_i, re_i, te_i, ent, rel,
                  o0, o1, o2, o3, o4, o5,
                  idx_v, rows_v, sem):
    wid = lax.axis_index("s") * NC + lax.axis_index("c")
    base = wid * BPW
    tasks = ((h_i, ent, o0), (r_i, rel, o1), (t_i, ent, o2),
             (he_i, ent, o3), (re_i, rel, o4), (te_i, ent, o5))
    for idx_hbm, table, out_hbm in tasks:
        pltpu.sync_copy(idx_hbm.at[pl.ds(base, BPW)], idx_v)
        pltpu.async_copy(table.at[idx_v], rows_v, sem).wait()
        pltpu.sync_copy(rows_v, out_hbm.at[pl.ds(base, BPW)])


_gather6_cache = []


def _get_gather6():
    if not _gather6_cache:
        mesh = plsc.VectorSubcoreMesh(core_axis_name="c", subcore_axis_name="s")
        _gather6_cache.append(pl.kernel(
            _gather6_body,
            mesh=mesh,
            out_type=tuple(jax.ShapeDtypeStruct((B, D), jnp.float32)
                           for _ in range(6)),
            scratch_types=[
                pltpu.VMEM((BPW,), jnp.int32),
                pltpu.VMEM((BPW, D), jnp.float32),
                pltpu.SemaphoreType.DMA,
            ],
            compiler_params=pltpu.CompilerParams(use_tc_tiling_on_sc=False),
        ))
    return _gather6_cache[0]


def kernel(pos_head, pos_rel, pos_tail, pos_head_exp, pos_rel_exp,
           pos_tail_exp, entity_table, rel_table):
    idxs = [jnp.asarray(x, jnp.int32) for x in
            (pos_head, pos_rel, pos_tail, pos_head_exp, pos_rel_exp, pos_tail_exp)]
    return _get_gather6()(*idxs, entity_table, rel_table)

# --- scband reference (transcript-rebuilt; emitter-appended) ---
"""Pipeline reference for scband-ex-trans-e-model-6485400617587 (READ-ONLY COPY).

The authoritative reference and input builder live on the scoring server;
editing this copy changes nothing except your own understanding.
"""

import jax, jax.numpy as jnp
import numpy as np

NUM_ENTITIES = 1000000
NUM_RELATIONS = 1000
EMBED_DIM = 64
BATCH = 16384


def setup_inputs(seed: int = 0) -> dict:
    key = jax.random.key(seed)
    ks = jax.random.split(key, 8)
    bound = 6.0 / np.sqrt(EMBED_DIM)
    entity_table = jax.random.uniform(ks[0], (NUM_ENTITIES, EMBED_DIM), minval=-bound, maxval=bound, dtype=jnp.float32)
    rel_table = jax.random.uniform(ks[1], (NUM_RELATIONS, EMBED_DIM), minval=-bound, maxval=bound, dtype=jnp.float32)
    pos_head = jax.random.randint(ks[2], (BATCH,), 0, NUM_ENTITIES, dtype=jnp.int64)
    pos_rel = jax.random.randint(ks[3], (BATCH,), 0, NUM_RELATIONS, dtype=jnp.int64)
    pos_tail = jax.random.randint(ks[4], (BATCH,), 0, NUM_ENTITIES, dtype=jnp.int64)
    pos_head_exp = jax.random.randint(ks[5], (BATCH,), 0, NUM_ENTITIES, dtype=jnp.int64)
    pos_rel_exp = jax.random.randint(ks[6], (BATCH,), 0, NUM_RELATIONS, dtype=jnp.int64)
    pos_tail_exp = jax.random.randint(ks[7], (BATCH,), 0, NUM_ENTITIES, dtype=jnp.int64)
    return {
        'pos_head': pos_head,
        'pos_rel': pos_rel,
        'pos_tail': pos_tail,
        'pos_head_exp': pos_head_exp,
        'pos_rel_exp': pos_rel_exp,
        'pos_tail_exp': pos_tail_exp,
        'entity_table': entity_table,
        'rel_table': rel_table,
    }


def reference(pos_head, pos_rel, pos_tail, pos_head_exp, pos_rel_exp, pos_tail_exp, entity_table, rel_table):
    # ExTransE forward: six embedding lookups (entity table for heads/tails,
    # relation table for relations), returning per-triple embeddings.
    pos_head_e = jnp.take(entity_table, pos_head, axis=0)
    pos_rel_e = jnp.take(rel_table, pos_rel, axis=0)
    pos_tail_e = jnp.take(entity_table, pos_tail, axis=0)
    pos_head_exp_e = jnp.take(entity_table, pos_head_exp, axis=0)
    pos_rel_exp_e = jnp.take(rel_table, pos_rel_exp, axis=0)
    pos_tail_exp_e = jnp.take(entity_table, pos_tail_exp, axis=0)
    return (pos_head_e, pos_rel_e, pos_tail_e, pos_head_exp_e, pos_rel_exp_e, pos_tail_exp_e)

if __name__ == "__main__":
    import jax
    _d = setup_inputs()
    print(jax.jit(kernel)(*tuple(_d.values())))

</pallas_src>

<mosaic_0001>
#map = affine_map<(d0, d1) -> (0)>
#map1 = affine_map<(d0, d1) -> (0, 0)>
module attributes {stable_mosaic.version = 14 : i64} {
  func.func @_gather6_body(%arg0: i32, %arg1: i32, %arg2: memref<16384xi32, #tpu.memory_space<hbm>>, %arg3: memref<16384xi32, #tpu.memory_space<hbm>>, %arg4: memref<16384xi32, #tpu.memory_space<hbm>>, %arg5: memref<16384xi32, #tpu.memory_space<hbm>>, %arg6: memref<16384xi32, #tpu.memory_space<hbm>>, %arg7: memref<16384xi32, #tpu.memory_space<hbm>>, %arg8: memref<1000000x64xf32, #tpu.memory_space<hbm>>, %arg9: memref<1000x64xf32, #tpu.memory_space<hbm>>, %arg10: memref<16384x64xf32, #tpu.memory_space<hbm>>, %arg11: memref<16384x64xf32, #tpu.memory_space<hbm>>, %arg12: memref<16384x64xf32, #tpu.memory_space<hbm>>, %arg13: memref<16384x64xf32, #tpu.memory_space<hbm>>, %arg14: memref<16384x64xf32, #tpu.memory_space<hbm>>, %arg15: memref<16384x64xf32, #tpu.memory_space<hbm>>, %arg16: memref<512xi32, #tpu.memory_space<vmem>>, %arg17: memref<512x64xf32, #tpu.memory_space<vmem>>, %arg18: memref<!tpu.dma_semaphore, #tpu.memory_space<semaphore_mem>>) attributes {dimension_semantics = [#tpu.dimension_semantics<core_parallel>, #tpu.dimension_semantics<subcore_parallel>], iteration_bounds = array<i64: 2, 16>, scalar_prefetch = 0 : i64, scratch_operands = 3 : i64, tpu.core_type = #tpu.core_type<sc_vector_subcore>, window_params = [{transform_indices = #map}, {transform_indices = #map}, {transform_indices = #map}, {transform_indices = #map}, {transform_indices = #map}, {transform_indices = #map}, {transform_indices = #map1}, {transform_indices = #map1}, {transform_indices = #map1}, {transform_indices = #map1}, {transform_indices = #map1}, {transform_indices = #map1}, {transform_indices = #map1}, {transform_indices = #map1}]} {
    %mul3A = arith.constant 2 : i32
    %mul3A_0 = arith.muli %arg1, %mul3A : i32
    %add3A = arith.addi %mul3A_0, %arg0 : i32
    %mul3A_1 = arith.constant 512 : i32
    %mul3A_2 = arith.muli %add3A, %mul3A_1 : i32
    "tpu.region"() ({
      %run_scoped3A = tpu.sem_alloc : memref<!tpu.dma_semaphore, #tpu.memory_space<semaphore_mem>>
      %dma_start3A_37 = tpu.memref_slice %arg2[%mul3A_2] : memref<16384xi32, #tpu.memory_space<hbm>> -> memref<512xi32, #tpu.memory_space<hbm>>
      %dma_start3A_38 = tpu.memref_slice %arg2[%mul3A_2] : memref<16384xi32, #tpu.memory_space<hbm>> -> memref<512xi32, #tpu.memory_space<hbm>>
      tpu.enqueue_dma source(%dma_start3A_38 : memref<512xi32, #tpu.memory_space<hbm>>) target(%arg16 : memref<512xi32, #tpu.memory_space<vmem>>) target_semaphore(%run_scoped3A : memref<!tpu.dma_semaphore, #tpu.memory_space<semaphore_mem>>)
      %dma_wait3A_39 = tpu.memref_slice %arg2[%mul3A_2] : memref<16384xi32, #tpu.memory_space<hbm>> -> memref<512xi32, #tpu.memory_space<hbm>>
      %dma_wait3A_40 = tpu.memref_slice %arg2[%mul3A_2] : memref<16384xi32, #tpu.memory_space<hbm>> -> memref<512xi32, #tpu.memory_space<hbm>>
      tpu.wait_dma2 semaphore(%run_scoped3A : memref<!tpu.dma_semaphore, #tpu.memory_space<semaphore_mem>>) src(%dma_wait3A_40 : memref<512xi32, #tpu.memory_space<hbm>>) dst(%arg16 : memref<512xi32, #tpu.memory_space<vmem>>)
      tpu.yield
    }) : () -> ()
    %dma_start3A = arith.constant 0 : i32
    %dma_start3A_3 = arith.constant 0 : i32
    %dma_start3A_4 = tpu.memref_slice %arg8[%dma_start3A, %dma_start3A_3] : memref<1000000x64xf32, #tpu.memory_space<hbm>> -> memref<1000000x64xf32, #tpu.memory_space<hbm>>
    tpu.enqueue_indirect_dma source(%dma_start3A_4 : memref<1000000x64xf32, #tpu.memory_space<hbm>>) target(%arg17 : memref<512x64xf32, #tpu.memory_space<vmem>>) offsets(%arg16 : memref<512xi32, #tpu.memory_space<vmem>>) semaphore(%arg18 : memref<!tpu.dma_semaphore, #tpu.memory_space<semaphore_mem>>)
    %dma_wait3A = arith.constant 0 : i32
    %dma_wait3A_5 = arith.constant 0 : i32
    %dma_wait3A_6 = tpu.memref_slice %arg8[%dma_wait3A, %dma_wait3A_5] : memref<1000000x64xf32, #tpu.memory_space<hbm>> -> memref<1000000x64xf32, #tpu.memory_space<hbm>>
    tpu.wait_indirect_dma semaphore(%arg18 : memref<!tpu.dma_semaphore, #tpu.memory_space<semaphore_mem>>) src(%dma_wait3A_6 : memref<1000000x64xf32, #tpu.memory_space<hbm>>) dst(%arg17 : memref<512x64xf32, #tpu.memory_space<vmem>>)
    "tpu.region"() ({
      %run_scoped3A = tpu.sem_alloc : memref<!tpu.dma_semaphore, #tpu.memory_space<semaphore_mem>>
      %dma_start3A_37 = arith.constant 0 : i32
      %dma_start3A_38 = tpu.memref_slice %arg10[%mul3A_2, %dma_start3A_37] : memref<16384x64xf32, #tpu.memory_space<hbm>> -> memref<512x64xf32, #tpu.memory_space<hbm>>
      %dma_start3A_39 = arith.constant 0 : i32
      %dma_start3A_40 = tpu.memref_slice %arg10[%mul3A_2, %dma_start3A_39] : memref<16384x64xf32, #tpu.memory_space<hbm>> -> memref<512x64xf32, #tpu.memory_space<hbm>>
      tpu.enqueue_dma source(%arg17 : memref<512x64xf32, #tpu.memory_space<vmem>>) target(%dma_start3A_40 : memref<512x64xf32, #tpu.memory_space<hbm>>) target_semaphore(%run_scoped3A : memref<!tpu.dma_semaphore, #tpu.memory_space<semaphore_mem>>)
      %dma_wait3A_41 = arith.constant 0 : i32
      %dma_wait3A_42 = tpu.memref_slice %arg10[%mul3A_2, %dma_wait3A_41] : memref<16384x64xf32, #tpu.memory_space<hbm>> -> memref<512x64xf32, #tpu.memory_space<hbm>>
      %dma_wait3A_43 = arith.constant 0 : i32
      %dma_wait3A_44 = tpu.memref_slice %arg10[%mul3A_2, %dma_wait3A_43] : memref<16384x64xf32, #tpu.memory_space<hbm>> -> memref<512x64xf32, #tpu.memory_space<hbm>>
      tpu.wait_dma2 semaphore(%run_scoped3A : memref<!tpu.dma_semaphore, #tpu.memory_space<semaphore_mem>>) src(%arg17 : memref<512x64xf32, #tpu.memory_space<vmem>>) dst(%dma_wait3A_44 : memref<512x64xf32, #tpu.memory_space<hbm>>)
      tpu.yield
    }) : () -> ()
    "tpu.region"() ({
      %run_scoped3A = tpu.sem_alloc : memref<!tpu.dma_semaphore, #tpu.memory_space<semaphore_mem>>
      %dma_start3A_37 = tpu.memref_slice %arg3[%mul3A_2] : memref<16384xi32, #tpu.memory_space<hbm>> -> memref<512xi32, #tpu.memory_space<hbm>>
      %dma_start3A_38 = tpu.memref_slice %arg3[%mul3A_2] : memref<16384xi32, #tpu.memory_space<hbm>> -> memref<512xi32, #tpu.memory_space<hbm>>
      tpu.enqueue_dma source(%dma_start3A_38 : memref<512xi32, #tpu.memory_space<hbm>>) target(%arg16 : memref<512xi32, #tpu.memory_space<vmem>>) target_semaphore(%run_scoped3A : memref<!tpu.dma_semaphore, #tpu.memory_space<semaphore_mem>>)
      %dma_wait3A_39 = tpu.memref_slice %arg3[%mul3A_2] : memref<16384xi32, #tpu.memory_space<hbm>> -> memref<512xi32, #tpu.memory_space<hbm>>
      %dma_wait3A_40 = tpu.memref_slice %arg3[%mul3A_2] : memref<16384xi32, #tpu.memory_space<hbm>> -> memref<512xi32, #tpu.memory_space<hbm>>
      tpu.wait_dma2 semaphore(%run_scoped3A : memref<!tpu.dma_semaphore, #tpu.memory_space<semaphore_mem>>) src(%dma_wait3A_40 : memref<512xi32, #tpu.memory_space<hbm>>) dst(%arg16 : memref<512xi32, #tpu.memory_space<vmem>>)
      tpu.yield
    }) : () -> ()
    %dma_start3A_7 = arith.constant 0 : i32
    %dma_start3A_8 = arith.constant 0 : i32
    %dma_start3A_9 = tpu.memref_slice %arg9[%dma_start3A_7, %dma_start3A_8] : memref<1000x64xf32, #tpu.memory_space<hbm>> -> memref<1000x64xf32, #tpu.memory_space<hbm>>
    tpu.enqueue_indirect_dma source(%dma_start3A_9 : memref<1000x64xf32, #tpu.memory_space<hbm>>) target(%arg17 : memref<512x64xf32, #tpu.memory_space<vmem>>) offsets(%arg16 : memref<512xi32, #tpu.memory_space<vmem>>) semaphore(%arg18 : memref<!tpu.dma_semaphore, #tpu.memory_space<semaphore_mem>>)
    %dma_wait3A_10 = arith.constant 0 : i32
    %dma_wait3A_11 = arith.constant 0 : i32
    %dma_wait3A_12 = tpu.memref_slice %arg9[%dma_wait3A_10, %dma_wait3A_11] : memref<1000x64xf32, #tpu.memory_space<hbm>> -> memref<1000x64xf32, #tpu.memory_space<hbm>>
    tpu.wait_indirect_dma semaphore(%arg18 : memref<!tpu.dma_semaphore, #tpu.memory_space<semaphore_mem>>) src(%dma_wait3A_12 : memref<1000x64xf32, #tpu.memory_space<hbm>>) dst(%arg17 : memref<512x64xf32, #tpu.memory_space<vmem>>)
    "tpu.region"() ({
      %run_scoped3A = tpu.sem_alloc : memref<!tpu.dma_semaphore, #tpu.memory_space<semaphore_mem>>
      %dma_start3A_37 = arith.constant 0 : i32
      %dma_start3A_38 = tpu.memref_slice %arg11[%mul3A_2, %dma_start3A_37] : memref<16384x64xf32, #tpu.memory_space<hbm>> -> memref<512x64xf32, #tpu.memory_space<hbm>>
      %dma_start3A_39 = arith.constant 0 : i32
      %dma_start3A_40 = tpu.memref_slice %arg11[%mul3A_2, %dma_start3A_39] : memref<16384x64xf32, #tpu.memory_space<hbm>> -> memref<512x64xf32, #tpu.memory_space<hbm>>
      tpu.enqueue_dma source(%arg17 : memref<512x64xf32, #tpu.memory_space<vmem>>) target(%dma_start3A_40 : memref<512x64xf32, #tpu.memory_space<hbm>>) target_semaphore(%run_scoped3A : memref<!tpu.dma_semaphore, #tpu.memory_space<semaphore_mem>>)
      %dma_wait3A_41 = arith.constant 0 : i32
      %dma_wait3A_42 = tpu.memref_slice %arg11[%mul3A_2, %dma_wait3A_41] : memref<16384x64xf32, #tpu.memory_space<hbm>> -> memref<512x64xf32, #tpu.memory_space<hbm>>
      %dma_wait3A_43 = arith.constant 0 : i32
      %dma_wait3A_44 = tpu.memref_slice %arg11[%mul3A_2, %dma_wait3A_43] : memref<16384x64xf32, #tpu.memory_space<hbm>> -> memref<512x64xf32, #tpu.memory_space<hbm>>
      tpu.wait_dma2 semaphore(%run_scoped3A : memref<!tpu.dma_semaphore, #tpu.memory_space<semaphore_mem>>) src(%arg17 : memref<512x64xf32, #tpu.memory_space<vmem>>) dst(%dma_wait3A_44 : memref<512x64xf32, #tpu.memory_space<hbm>>)
      tpu.yield
    }) : () -> ()
    "tpu.region"() ({
      %run_scoped3A = tpu.sem_alloc : memref<!tpu.dma_semaphore, #tpu.memory_space<semaphore_mem>>
      %dma_start3A_37 = tpu.memref_slice %arg4[%mul3A_2] : memref<16384xi32, #tpu.memory_space<hbm>> -> memref<512xi32, #tpu.memory_space<hbm>>
      %dma_start3A_38 = tpu.memref_slice %arg4[%mul3A_2] : memref<16384xi32, #tpu.memory_space<hbm>> -> memref<512xi32, #tpu.memory_space<hbm>>
      tpu.enqueue_dma source(%dma_start3A_38 : memref<512xi32, #tpu.memory_space<hbm>>) target(%arg16 : memref<512xi32, #tpu.memory_space<vmem>>) target_semaphore(%run_scoped3A : memref<!tpu.dma_semaphore, #tpu.memory_space<semaphore_mem>>)
      %dma_wait3A_39 = tpu.memref_slice %arg4[%mul3A_2] : memref<16384xi32, #tpu.memory_space<hbm>> -> memref<512xi32, #tpu.memory_space<hbm>>
      %dma_wait3A_40 = tpu.memref_slice %arg4[%mul3A_2] : memref<16384xi32, #tpu.memory_space<hbm>> -> memref<512xi32, #tpu.memory_space<hbm>>
      tpu.wait_dma2 semaphore(%run_scoped3A : memref<!tpu.dma_semaphore, #tpu.memory_space<semaphore_mem>>) src(%dma_wait3A_40 : memref<512xi32, #tpu.memory_space<hbm>>) dst(%arg16 : memref<512xi32, #tpu.memory_space<vmem>>)
      tpu.yield
    }) : () -> ()
    %dma_start3A_13 = arith.constant 0 : i32
    %dma_start3A_14 = arith.constant 0 : i32
    %dma_start3A_15 = tpu.memref_slice %arg8[%dma_start3A_13, %dma_start3A_14] : memref<1000000x64xf32, #tpu.memory_space<hbm>> -> memref<1000000x64xf32, #tpu.memory_space<hbm>>
    tpu.enqueue_indirect_dma source(%dma_start3A_15 : memref<1000000x64xf32, #tpu.memory_space<hbm>>) target(%arg17 : memref<512x64xf32, #tpu.memory_space<vmem>>) offsets(%arg16 : memref<512xi32, #tpu.memory_space<vmem>>) semaphore(%arg18 : memref<!tpu.dma_semaphore, #tpu.memory_space<semaphore_mem>>)
    %dma_wait3A_16 = arith.constant 0 : i32
    %dma_wait3A_17 = arith.constant 0 : i32
    %dma_wait3A_18 = tpu.memref_slice %arg8[%dma_wait3A_16, %dma_wait3A_17] : memref<1000000x64xf32, #tpu.memory_space<hbm>> -> memref<1000000x64xf32, #tpu.memory_space<hbm>>
    tpu.wait_indirect_dma semaphore(%arg18 : memref<!tpu.dma_semaphore, #tpu.memory_space<semaphore_mem>>) src(%dma_wait3A_18 : memref<1000000x64xf32, #tpu.memory_space<hbm>>) dst(%arg17 : memref<512x64xf32, #tpu.memory_space<vmem>>)
    "tpu.region"() ({
      %run_scoped3A = tpu.sem_alloc : memref<!tpu.dma_semaphore, #tpu.memory_space<semaphore_mem>>
      %dma_start3A_37 = arith.constant 0 : i32
      %dma_start3A_38 = tpu.memref_slice %arg12[%mul3A_2, %dma_start3A_37] : memref<16384x64xf32, #tpu.memory_space<hbm>> -> memref<512x64xf32, #tpu.memory_space<hbm>>
      %dma_start3A_39 = arith.constant 0 : i32
      %dma_start3A_40 = tpu.memref_slice %arg12[%mul3A_2, %dma_start3A_39] : memref<16384x64xf32, #tpu.memory_space<hbm>> -> memref<512x64xf32, #tpu.memory_space<hbm>>
      tpu.enqueue_dma source(%arg17 : memref<512x64xf32, #tpu.memory_space<vmem>>) target(%dma_start3A_40 : memref<512x64xf32, #tpu.memory_space<hbm>>) target_semaphore(%run_scoped3A : memref<!tpu.dma_semaphore, #tpu.memory_space<semaphore_mem>>)
      %dma_wait3A_41 = arith.constant 0 : i32
      %dma_wait3A_42 = tpu.memref_slice %arg12[%mul3A_2, %dma_wait3A_41] : memref<16384x64xf32, #tpu.memory_space<hbm>> -> memref<512x64xf32, #tpu.memory_space<hbm>>
      %dma_wait3A_43 = arith.constant 0 : i32
      %dma_wait3A_44 = tpu.memref_slice %arg12[%mul3A_2, %dma_wait3A_43] : memref<16384x64xf32, #tpu.memory_space<hbm>> -> memref<512x64xf32, #tpu.memory_space<hbm>>
      tpu.wait_dma2 semaphore(%run_scoped3A : memref<!tpu.dma_semaphore, #tpu.memory_space<semaphore_mem>>) src(%arg17 : memref<512x64xf32, #tpu.memory_space<vmem>>) dst(%dma_wait3A_44 : memref<512x64xf32, #tpu.memory_space<hbm>>)
      tpu.yield
    }) : () -> ()
    "tpu.region"() ({
      %run_scoped3A = tpu.sem_alloc : memref<!tpu.dma_semaphore, #tpu.memory_space<semaphore_mem>>
      %dma_start3A_37 = tpu.memref_slice %arg5[%mul3A_2] : memref<16384xi32, #tpu.memory_space<hbm>> -> memref<512xi32, #tpu.memory_space<hbm>>
      %dma_start3A_38 = tpu.memref_slice %arg5[%mul3A_2] : memref<16384xi32, #tpu.memory_space<hbm>> -> memref<512xi32, #tpu.memory_space<hbm>>
      tpu.enqueue_dma source(%dma_start3A_38 : memref<512xi32, #tpu.memory_space<hbm>>) target(%arg16 : memref<512xi32, #tpu.memory_space<vmem>>) target_semaphore(%run_scoped3A : memref<!tpu.dma_semaphore, #tpu.memory_space<semaphore_mem>>)
      %dma_wait3A_39 = tpu.memref_slice %arg5[%mul3A_2] : memref<16384xi32, #tpu.memory_space<hbm>> -> memref<512xi32, #tpu.memory_space<hbm>>
      %dma_wait3A_40 = tpu.memref_slice %arg5[%mul3A_2] : memref<16384xi32, #tpu.memory_space<hbm>> -> memref<512xi32, #tpu.memory_space<hbm>>
      tpu.wait_dma2 semaphore(%run_scoped3A : memref<!tpu.dma_semaphore, #tpu.memory_space<semaphore_mem>>) src(%dma_wait3A_40 : memref<512xi32, #tpu.memory_space<hbm>>) dst(%arg16 : memref<512xi32, #tpu.memory_space<vmem>>)
      tpu.yield
    }) : () -> ()
    %dma_start3A_19 = arith.constant 0 : i32
    %dma_start3A_20 = arith.constant 0 : i32
    %dma_start3A_21 = tpu.memref_slice %arg8[%dma_start3A_19, %dma_start3A_20] : memref<1000000x64xf32, #tpu.memory_space<hbm>> -> memref<1000000x64xf32, #tpu.memory_space<hbm>>
    tpu.enqueue_indirect_dma source(%dma_start3A_21 : memref<1000000x64xf32, #tpu.memory_space<hbm>>) target(%arg17 : memref<512x64xf32, #tpu.memory_space<vmem>>) offsets(%arg16 : memref<512xi32, #tpu.memory_space<vmem>>) semaphore(%arg18 : memref<!tpu.dma_semaphore, #tpu.memory_space<semaphore_mem>>)
    %dma_wait3A_22 = arith.constant 0 : i32
    %dma_wait3A_23 = arith.constant 0 : i32
    %dma_wait3A_24 = tpu.memref_slice %arg8[%dma_wait3A_22, %dma_wait3A_23] : memref<1000000x64xf32, #tpu.memory_space<hbm>> -> memref<1000000x64xf32, #tpu.memory_space<hbm>>
    tpu.wait_indirect_dma semaphore(%arg18 : memref<!tpu.dma_semaphore, #tpu.memory_space<semaphore_mem>>) src(%dma_wait3A_24 : memref<1000000x64xf32, #tpu.memory_space<hbm>>) dst(%arg17 : memref<512x64xf32, #tpu.memory_space<vmem>>)
    "tpu.region"() ({
      %run_scoped3A = tpu.sem_alloc : memref<!tpu.dma_semaphore, #tpu.memory_space<semaphore_mem>>
      %dma_start3A_37 = arith.constant 0 : i32
      %dma_start3A_38 = tpu.memref_slice %arg13[%mul3A_2, %dma_start3A_37] : memref<16384x64xf32, #tpu.memory_space<hbm>> -> memref<512x64xf32, #tpu.memory_space<hbm>>
      %dma_start3A_39 = arith.constant 0 : i32
      %dma_start3A_40 = tpu.memref_slice %arg13[%mul3A_2, %dma_start3A_39] : memref<16384x64xf32, #tpu.memory_space<hbm>> -> memref<512x64xf32, #tpu.memory_space<hbm>>
      tpu.enqueue_dma source(%arg17 : memref<512x64xf32, #tpu.memory_space<vmem>>) target(%dma_start3A_40 : memref<512x64xf32, #tpu.memory_space<hbm>>) target_semaphore(%run_scoped3A : memref<!tpu.dma_semaphore, #tpu.memory_space<semaphore_mem>>)
      %dma_wait3A_41 = arith.constant 0 : i32
      %dma_wait3A_42 = tpu.memref_slice %arg13[%mul3A_2, %dma_wait3A_41] : memref<16384x64xf32, #tpu.memory_space<hbm>> -> memref<512x64xf32, #tpu.memory_space<hbm>>
      %dma_wait3A_43 = arith.constant 0 : i32
      %dma_wait3A_44 = tpu.memref_slice %arg13[%mul3A_2, %dma_wait3A_43] : memref<16384x64xf32, #tpu.memory_space<hbm>> -> memref<512x64xf32, #tpu.memory_space<hbm>>
      tpu.wait_dma2 semaphore(%run_scoped3A : memref<!tpu.dma_semaphore, #tpu.memory_space<semaphore_mem>>) src(%arg17 : memref<512x64xf32, #tpu.memory_space<vmem>>) dst(%dma_wait3A_44 : memref<512x64xf32, #tpu.memory_space<hbm>>)
      tpu.yield
    }) : () -> ()
    "tpu.region"() ({
      %run_scoped3A = tpu.sem_alloc : memref<!tpu.dma_semaphore, #tpu.memory_space<semaphore_mem>>
      %dma_start3A_37 = tpu.memref_slice %arg6[%mul3A_2] : memref<16384xi32, #tpu.memory_space<hbm>> -> memref<512xi32, #tpu.memory_space<hbm>>
      %dma_start3A_38 = tpu.memref_slice %arg6[%mul3A_2] : memref<16384xi32, #tpu.memory_space<hbm>> -> memref<512xi32, #tpu.memory_space<hbm>>
      tpu.enqueue_dma source(%dma_start3A_38 : memref<512xi32, #tpu.memory_space<hbm>>) target(%arg16 : memref<512xi32, #tpu.memory_space<vmem>>) target_semaphore(%run_scoped3A : memref<!tpu.dma_semaphore, #tpu.memory_space<semaphore_mem>>)
      %dma_wait3A_39 = tpu.memref_slice %arg6[%mul3A_2] : memref<16384xi32, #tpu.memory_space<hbm>> -> memref<512xi32, #tpu.memory_space<hbm>>
      %dma_wait3A_40 = tpu.memref_slice %arg6[%mul3A_2] : memref<16384xi32, #tpu.memory_space<hbm>> -> memref<512xi32, #tpu.memory_space<hbm>>
      tpu.wait_dma2 semaphore(%run_scoped3A : memref<!tpu.dma_semaphore, #tpu.memory_space<semaphore_mem>>) src(%dma_wait3A_40 : memref<512xi32, #tpu.memory_space<hbm>>) dst(%arg16 : memref<512xi32, #tpu.memory_space<vmem>>)
      tpu.yield
    }) : () -> ()
    %dma_start3A_25 = arith.constant 0 : i32
    %dma_start3A_26 = arith.constant 0 : i32
    %dma_start3A_27 = tpu.memref_slice %arg9[%dma_start3A_25, %dma_start3A_26] : memref<1000x64xf32, #tpu.memory_space<hbm>> -> memref<1000x64xf32, #tpu.memory_space<hbm>>
    tpu.enqueue_indirect_dma source(%dma_start3A_27 : memref<1000x64xf32, #tpu.memory_space<hbm>>) target(%arg17 : memref<512x64xf32, #tpu.memory_space<vmem>>) offsets(%arg16 : memref<512xi32, #tpu.memory_space<vmem>>) semaphore(%arg18 : memref<!tpu.dma_semaphore, #tpu.memory_space<semaphore_mem>>)
    %dma_wait3A_28 = arith.constant 0 : i32
    %dma_wait3A_29 = arith.constant 0 : i32
    %dma_wait3A_30 = tpu.memref_slice %arg9[%dma_wait3A_28, %dma_wait3A_29] : memref<1000x64xf32, #tpu.memory_space<hbm>> -> memref<1000x64xf32, #tpu.memory_space<hbm>>
    tpu.wait_indirect_dma semaphore(%arg18 : memref<!tpu.dma_semaphore, #tpu.memory_space<semaphore_mem>>) src(%dma_wait3A_30 : memref<1000x64xf32, #tpu.memory_space<hbm>>) dst(%arg17 : memref<512x64xf32, #tpu.memory_space<vmem>>)
    "tpu.region"() ({
      %run_scoped3A = tpu.sem_alloc : memref<!tpu.dma_semaphore, #tpu.memory_space<semaphore_mem>>
      %dma_start3A_37 = arith.constant 0 : i32
      %dma_start3A_38 = tpu.memref_slice %arg14[%mul3A_2, %dma_start3A_37] : memref<16384x64xf32, #tpu.memory_space<hbm>> -> memref<512x64xf32, #tpu.memory_space<hbm>>
      %dma_start3A_39 = arith.constant 0 : i32
      %dma_start3A_40 = tpu.memref_slice %arg14[%mul3A_2, %dma_start3A_39] : memref<16384x64xf32, #tpu.memory_space<hbm>> -> memref<512x64xf32, #tpu.memory_space<hbm>>
      tpu.enqueue_dma source(%arg17 : memref<512x64xf32, #tpu.memory_space<vmem>>) target(%dma_start3A_40 : memref<512x64xf32, #tpu.memory_space<hbm>>) target_semaphore(%run_scoped3A : memref<!tpu.dma_semaphore, #tpu.memory_space<semaphore_mem>>)
      %dma_wait3A_41 = arith.constant 0 : i32
      %dma_wait3A_42 = tpu.memref_slice %arg14[%mul3A_2, %dma_wait3A_41] : memref<16384x64xf32, #tpu.memory_space<hbm>> -> memref<512x64xf32, #tpu.memory_space<hbm>>
      %dma_wait3A_43 = arith.constant 0 : i32
      %dma_wait3A_44 = tpu.memref_slice %arg14[%mul3A_2, %dma_wait3A_43] : memref<16384x64xf32, #tpu.memory_space<hbm>> -> memref<512x64xf32, #tpu.memory_space<hbm>>
      tpu.wait_dma2 semaphore(%run_scoped3A : memref<!tpu.dma_semaphore, #tpu.memory_space<semaphore_mem>>) src(%arg17 : memref<512x64xf32, #tpu.memory_space<vmem>>) dst(%dma_wait3A_44 : memref<512x64xf32, #tpu.memory_space<hbm>>)
      tpu.yield
    }) : () -> ()
    "tpu.region"() ({
      %run_scoped3A = tpu.sem_alloc : memref<!tpu.dma_semaphore, #tpu.memory_space<semaphore_mem>>
      %dma_start3A_37 = tpu.memref_slice %arg7[%mul3A_2] : memref<16384xi32, #tpu.memory_space<hbm>> -> memref<512xi32, #tpu.memory_space<hbm>>
      %dma_start3A_38 = tpu.memref_slice %arg7[%mul3A_2] : memref<16384xi32, #tpu.memory_space<hbm>> -> memref<512xi32, #tpu.memory_space<hbm>>
      tpu.enqueue_dma source(%dma_start3A_38 : memref<512xi32, #tpu.memory_space<hbm>>) target(%arg16 : memref<512xi32, #tpu.memory_space<vmem>>) target_semaphore(%run_scoped3A : memref<!tpu.dma_semaphore, #tpu.memory_space<semaphore_mem>>)
      %dma_wait3A_39 = tpu.memref_slice %arg7[%mul3A_2] : memref<16384xi32, #tpu.memory_space<hbm>> -> memref<512xi32, #tpu.memory_space<hbm>>
      %dma_wait3A_40 = tpu.memref_slice %arg7[%mul3A_2] : memref<16384xi32, #tpu.memory_space<hbm>> -> memref<512xi32, #tpu.memory_space<hbm>>
      tpu.wait_dma2 semaphore(%run_scoped3A : memref<!tpu.dma_semaphore, #tpu.memory_space<semaphore_mem>>) src(%dma_wait3A_40 : memref<512xi32, #tpu.memory_space<hbm>>) dst(%arg16 : memref<512xi32, #tpu.memory_space<vmem>>)
      tpu.yield
    }) : () -> ()
    %dma_start3A_31 = arith.constant 0 : i32
    %dma_start3A_32 = arith.constant 0 : i32
    %dma_start3A_33 = tpu.memref_slice %arg8[%dma_start3A_31, %dma_start3A_32] : memref<1000000x64xf32, #tpu.memory_space<hbm>> -> memref<1000000x64xf32, #tpu.memory_space<hbm>>
    tpu.enqueue_indirect_dma source(%dma_start3A_33 : memref<1000000x64xf32, #tpu.memory_space<hbm>>) target(%arg17 : memref<512x64xf32, #tpu.memory_space<vmem>>) offsets(%arg16 : memref<512xi32, #tpu.memory_space<vmem>>) semaphore(%arg18 : memref<!tpu.dma_semaphore, #tpu.memory_space<semaphore_mem>>)
    %dma_wait3A_34 = arith.constant 0 : i32
    %dma_wait3A_35 = arith.constant 0 : i32
    %dma_wait3A_36 = tpu.memref_slice %arg8[%dma_wait3A_34, %dma_wait3A_35] : memref<1000000x64xf32, #tpu.memory_space<hbm>> -> memref<1000000x64xf32, #tpu.memory_space<hbm>>
    tpu.wait_indirect_dma semaphore(%arg18 : memref<!tpu.dma_semaphore, #tpu.memory_space<semaphore_mem>>) src(%dma_wait3A_36 : memref<1000000x64xf32, #tpu.memory_space<hbm>>) dst(%arg17 : memref<512x64xf32, #tpu.memory_space<vmem>>)
    "tpu.region"() ({
      %run_scoped3A = tpu.sem_alloc : memref<!tpu.dma_semaphore, #tpu.memory_space<semaphore_mem>>
      %dma_start3A_37 = arith.constant 0 : i32
      %dma_start3A_38 = tpu.memref_slice %arg15[%mul3A_2, %dma_start3A_37] : memref<16384x64xf32, #tpu.memory_space<hbm>> -> memref<512x64xf32, #tpu.memory_space<hbm>>
      %dma_start3A_39 = arith.constant 0 : i32
      %dma_start3A_40 = tpu.memref_slice %arg15[%mul3A_2, %dma_start3A_39] : memref<16384x64xf32, #tpu.memory_space<hbm>> -> memref<512x64xf32, #tpu.memory_space<hbm>>
      tpu.enqueue_dma source(%arg17 : memref<512x64xf32, #tpu.memory_space<vmem>>) target(%dma_start3A_40 : memref<512x64xf32, #tpu.memory_space<hbm>>) target_semaphore(%run_scoped3A : memref<!tpu.dma_semaphore, #tpu.memory_space<semaphore_mem>>)
      %dma_wait3A_41 = arith.constant 0 : i32
      %dma_wait3A_42 = tpu.memref_slice %arg15[%mul3A_2, %dma_wait3A_41] : memref<16384x64xf32, #tpu.memory_space<hbm>> -> memref<512x64xf32, #tpu.memory_space<hbm>>
      %dma_wait3A_43 = arith.constant 0 : i32
      %dma_wait3A_44 = tpu.memref_slice %arg15[%mul3A_2, %dma_wait3A_43] : memref<16384x64xf32, #tpu.memory_space<hbm>> -> memref<512x64xf32, #tpu.memory_space<hbm>>
      tpu.wait_dma2 semaphore(%run_scoped3A : memref<!tpu.dma_semaphore, #tpu.memory_space<semaphore_mem>>) src(%arg17 : memref<512x64xf32, #tpu.memory_space<vmem>>) dst(%dma_wait3A_44 : memref<512x64xf32, #tpu.memory_space<hbm>>)
      tpu.yield
    }) : () -> ()
    return
  }
}

</mosaic_0001>

<sc_bundles>
// kernel: kernel.3.cloned.1.call-start
scs
__scs_entry_jumppad:
0x0: {  	(pc) =	sbr.rel $0x88, $3  }
0x1: {  	(tag) =	ssettag $0x0;
	lr =	simm.s32 $0x1  }
0x2: {  	[smem:$0x3F99] =	sst lr;
	_ =	strace $0xD0000000  }
0x3: {  	_ = 	snop  }
0x4: {  	_ = 	snop  }
0x5: {  	_ = 	snop  }
0x6: {  	_ = 	snop  }
0x7: {  	_ = 	snop  }
__scs_overlays_trampoline_lowered:
0x8: {  	[smem:$0x3FA8] =	sst s0  }
0x9: {  	[smem:$0x3FA9] =	sst s1  }
0xa: {  	[smem:$0x3FAA] =	sst s2  }
0xb: {  	[smem:$0x3FAB] =	sst s3  }
0xc: {  	[smem:$0x3FAC] =	sst s4  }
0xd: {  	[smem:$0x3FAD] =	sst s5  }
0xe: {  	[smem:$0x3FAE] =	sst s6  }
0xf: {  	[smem:$0x3FAF] =	sst s7  }
0x10: {  	[smem:$0x3FB0] =	sst s8  }
0x11: {  	[smem:$0x3FB1] =	sst s9;
	s0 =	simm.s32 @!p0 $0x0  }
0x12: {  	s1 =	sld [smem:$0x3F97];
	s0 =	simm.s32 @p0 $0x1  }
0x13: {  	[smem:$0x3FB2] =	sst s0;
	s0 =	simm.s32 @!p1 $0x0  }
0x14: {  	s2 =	sld [smem:$0x3F96];
	s0 =	simm.s32 @p1 $0x1  }
0x15: {  	[smem:$0x3FB3] =	sst s0;
	s0 =	simm.s32 @!p2 $0x0  }
0x16: {  	s3 =	sld [smem:$0x3FDB];
	s0 =	simm.s32 @p2 $0x1  }
0x17: {  	s4 =	simm.s32 $0x1BF5;
	[smem:$0x3FB5] =	sst s0  }
0x18: {  	s0 =	sld [smem:$0x3F98];
	_ =	swait.ge [sflag:s4], $0x0  }
0x19: {  	s7 =	sld [smem:$0x3F99]  }
0x1a: {  	s8 =	sadd.s32 $0xFFFFE003, lr  }
0x1b: {  	s9 =	sadd.s32 $0xFFFFFEF7, lr;
	s5 =	simm.s32 $0xFFFFFFFF;
	p2 =	slt.u32 s8, $0xFFFFF086  }
0x1c: {  	p1 =	slt.u32 s9, $0xF7A;
	s5 =	simm.s32 @!p2 $0x0  }
0x1d: {  	s5 =	simm.s32 @p1 $0x1;
	p0 =	seq.s32 s7, s2  }
0x1e: {  	s7 =	smul.u32 @!p0 $0xF7A, s2;
	p2 =	seq.s32 @!p0 s5, $0x0  }
0x1f: {  	s9 =	smul.u32 $0xF7A, s1;
	s8 =	simm.s32 @!p0 $0x1BF5;
	p2 =	por !p2, p0  }
0x20: {  	[sflag:s8] =	ssyncset.s32 @!p0 $0xFFFFF086;
	s6 =	sadd.s32 @!p0 s3, s7;
	s7 =	simm.s32 @!p0 $0x108  }
0x21: {  	s3 =	sadd.s32 s3, s9;
	s6 =	sadd.s32 @!p0 $0x88, s6;
	s7 =	simm.s32 @p2 $0x1082  }
0x22: {  	[simem:s7], [sflag:s8] =	dma.local @!p0 [hbm:s6], $0xF7A  }
0x23: {  	s9 =	sor.u32 $0xD0000000, s2;
	s6 =	simm.s32 $0x108;
	_ =	swait.ge @!p0 [sflag:s8], $0x0  }
0x24: {  	s3 =	sadd.s32 $0x88, s3;
	s6 =	simm.s32 @!p1 $0x1082;
	[sflag:s4] =	ssyncset.s32 $0xFFFFF086  }
0x25: {  	[simem:s6], [sflag:s4] =	dma.local [hbm:s3], $0xF7A  }
0x26: {  	[smem:$0x3F99] =	sst s1;
	(tag) =	ssettag s2;
	_ =	strace s9  }
0x27: {  	s1 =	sld [smem:$0x3FA9]  }
0x28: {  	s2 =	sld [smem:$0x3FAA]  }
0x29: {  	s4 =	sld [smem:$0x3FAC]  }
0x2a: {  	p0 =	seq.s32 s5, $0x0;
	s5 =	sld [smem:$0x3FAD]  }
0x2b: {  	s6 =	sld [smem:$0x3FAE]  }
0x2c: {  	s7 =	sld [smem:$0x3FAF]  }
0x2d: {  	s3 =	simm.s32 $0x108;
	s8 =	sld [smem:$0x3FB0]  }
0x2e: {  	s3 =	simm.s32 @!p0 $0x1082;
	s9 =	sld [smem:$0x3FB1]  }
0x2f: {  	lr =	sadd.s32 s0, s3;
	s0 =	sld [smem:$0x3FA8]  }
0x30: {  	s3 =	sld [smem:$0x3FAB]  }
0x31: {  	[smem:$0x3FB4] =	sst s10  }
0x32: {  	s10 =	sld [smem:$0x3FB2];
	_ =	sdelay $0x3  }
0x33: {  	p0 =	seq.s32 s10, $0x1;
	s10 =	sld [smem:$0x3FB4];
	_ =	sdelay $0x3  }
0x34: {  	[smem:$0x3FB4] =	sst s10  }
0x35: {  	s10 =	sld [smem:$0x3FB3];
	_ =	sdelay $0x3  }
0x36: {  	p1 =	seq.s32 s10, $0x1;
	s10 =	sld [smem:$0x3FB4];
	_ =	sdelay $0x3  }
0x37: {  	[smem:$0x3FB4] =	sst s10  }
0x38: {  	s10 =	sld [smem:$0x3FB5]  }
0x39: {  	_ = 	snop;
	(pc) =	sbr.ind lr, $3  }
0x3a: {  	_ = 	snop  }
0x3b: {  	_ = 	snop  }
0x3c: {  	p2 =	seq.s32 s10, $0x1;
	s10 =	sld [smem:$0x3FB4]  }
0x3d: {  	_ =	shalt  }
0x3e: {  	_ =	shalt  }
0x3f: {  	_ =	shalt  }
0x40: {  	_ =	shalt  }
0x41: {  	_ =	shalt  }
0x42: {  	_ =	shalt  }
0x43: {  	_ =	shalt  }
0x44: {  	_ =	shalt  }
0x45: {  	_ =	shalt  }
0x46: {  	_ =	shalt  }
0x47: {  	_ =	shalt  }
0x48: {  	_ =	shalt  }
0x49: {  	_ =	shalt  }
0x4a: {  	_ =	shalt  }
0x4b: {  	_ =	shalt  }
0x4c: {  	_ =	shalt  }
0x4d: {  	_ =	shalt  }
0x4e: {  	_ =	shalt  }
0x4f: {  	_ =	shalt  }
0x50: {  	_ =	shalt  }
0x51: {  	_ =	shalt  }
0x52: {  	_ =	shalt  }
0x53: {  	_ =	shalt  }
0x54: {  	_ =	shalt  }
0x55: {  	_ =	shalt  }
0x56: {  	_ =	shalt  }
0x57: {  	_ =	shalt  }
0x58: {  	_ =	shalt  }
0x59: {  	_ =	shalt  }
0x5a: {  	_ =	shalt  }
0x5b: {  	_ =	shalt  }
0x5c: {  	_ =	shalt  }
0x5d: {  	_ =	shalt  }
0x5e: {  	_ =	shalt  }
0x5f: {  	_ =	shalt  }
0x60: {  	_ =	shalt  }
0x61: {  	_ =	shalt  }
0x62: {  	_ =	shalt  }
0x63: {  	_ =	shalt  }
0x64: {  	_ =	shalt  }
0x65: {  	_ =	shalt  }
0x66: {  	_ =	shalt  }
0x67: {  	_ =	shalt  }
0x68: {  	_ =	shalt  }
0x69: {  	_ =	shalt  }
0x6a: {  	_ =	shalt  }
0x6b: {  	_ =	shalt  }
0x6c: {  	_ =	shalt  }
0x6d: {  	_ =	shalt  }
0x6e: {  	_ =	shalt  }
0x6f: {  	_ =	shalt  }
0x70: {  	_ =	shalt  }
0x71: {  	_ =	shalt  }
0x72: {  	_ =	shalt  }
0x73: {  	_ =	shalt  }
0x74: {  	_ =	shalt  }
0x75: {  	_ =	shalt  }
0x76: {  	_ =	shalt  }
0x77: {  	_ =	shalt  }
0x78: {  	_ =	shalt  }
0x79: {  	_ =	shalt  }
0x7a: {  	_ =	shalt  }
0x7b: {  	_ =	shalt  }
0x7c: {  	_ =	shalt  }
0x7d: {  	_ =	shalt  }
0x7e: {  	_ =	shalt  }
0x7f: {  	_ =	shalt  }
0x80: {  	_ =	shalt  }
0x81: {  	_ =	shalt  }
0x82: {  	_ =	shalt  }
0x83: {  	_ =	shalt  }
0x84: {  	_ =	shalt  }
0x85: {  	_ =	shalt  }
0x86: {  	_ =	shalt  }
0x87: {  	_ =	shalt  }
.Lfunc_end0:
.L_simem_size_0:
called_computation_lowered:
.L_overlay_start_0:
0x88: {  	s2 =	sld [smem:$0x3FD9]  }
0x89: {  	s3 =	sld [smem:$0x3FFE];
	_ =	sdelay $0x1  }
0x8a: {  	s1 =	srdreg.scid  }
0x8b: {  	s0 =	sand.u32 $0x1, s1  }
0x8c: {  	s30 =	sshll.u32 s0, $0xA;
	s2 =	sadd.s32 s3, s2  }
0x8d: {  	s2 =	sadd.s32 s2, s30  }
0x8e: {  	[smem:$0x3FC0] =	sst s2  }
0x8f: {  	_ = 	snop  }
0x90: {  	s2 =	sld [smem:$0x3FC9]  }
0x91: {  	s31 =	sld [smem:$0x3FC8]  }
0x92: {  	s4 =	sld [smem:$0x3FC7]  }
0x93: {  	s5 =	sld [smem:$0x3FD0]  }
0x94: {  	s6 =	sld [smem:$0x3FC6]  }
0x95: {  	s7 =	sld [smem:$0x3FC5]  }
0x96: {  	s9 =	simm.s32 $0xA;
	s10 =	simm.s32 $0x10;
	s8 =	sld [smem:$0x3FC4]  }
0x97: {  	[smem:s10], [sflag:s9] =	dma.local [hbm:s5], $0x1  }
0x98: {  	_ =	swait.eq [sflag:s9], $0x1  }
0x99: {  	s10 =	sld [smem:$0x12]  }
0x9a: {  	s17 =	sld [smem:$0x13];
	[sflag:s9] =	ssyncset.done $0x0  }
0x9b: {  	s11 =	sld [smem:$0x14];
	[sflag:s9] =	ssyncadd.s32 $0xFFFFFFFF  }
0x9c: {  	s18 =	sld [smem:$0x15];
	(tm) =	ssettm $0x1  }
0x9d: {  	s12 =	sld [smem:$0x3FFB];
	_ =	sdelay $0x3  }
0x9e: {  	_ =	strace s12  }
0x9f: {  	s12 =	sld [smem:$0x3FFC];
	_ =	sdelay $0x3  }
0xa0: {  	_ =	strace s12  }
0xa1: {  	s12 =	sld [smem:$0x3FFD];
	_ =	sdelay $0x3  }
0xa2: {  	_ =	strace s12  }
0xa3: {  	_ =	strace $0x8FFFFFFF  }
0xa4: {  	s19 =	sld [smem:$0x3FDB];
	_ =	sdelay $0x1  }
0xa5: {  	s13 =	simm.s32 $_scs_section_size  }
0xa6: {  	s14 =	simm.s32 $_size__tile_overlayer_lowered;
	s15 =	simm.s32 $_tile_overlayer_lowered  }
0xa7: {  	s22 =	simm.s32 $0x1BFF;
	s21 =	sshll.u32 s15, $0x1;
	s12 =	sadd.s32 s13, s19  }
0xa8: {  	s16 =	simm.s32 $0x0;
	s20 =	sshll.u32 s14, $0x1;
	s14 =	sadd.s32 s21, s12  }
0xa9: {  	[timem:s16], [sflag:s22] =	dma.local [hbm:s14], s20  }
0xaa: {  	_ =	swait.ge [sflag:s22], s20  }
0xab: {  	s13 =	ssub.s32 $0x0, s20;
	[sflag:s22] =	ssyncset.done $0x0  }
0xac: {  	[sflag:s22] =	ssyncadd.s32 s13;
	_ =	sdelay $0x1  }
0xad: {  	s23 =	simm.s32 $0x1B8B  }
0xae: {  	_ =	swait.ge [sflag:s23], $0x1  }
0xaf: {  	[sflag:s23] =	ssyncset.done $0x0  }
0xb0: {  	s25 =	simm.s32 $0x1B8E;
	s24 =	sld [smem:$0x3FFE];
	[sflag:s23] =	ssyncadd.s32 $0xFFFFFFFF  }
0xb1: {  	s26 =	simm.s32 $execute0_lowered;
	[smem:$0x3FD2] =	sst s25  }
0xb2: {  	s14 =	sshll.u32 s26, $0x1;
	_ =	strace $0x80000046;
	[dreg:$0x1] =	wrdreg $0xFFFFFFFF  }
0xb3: {  	s28 =	simm.s32 $_size_execute0_lowered;
	s12 =	sadd.s32 s12, s14;
	[dreg:$0x0] =	wrdreg $0x0  }
0xb4: {  	s14 =	sshll.u32 s28, $0x1;
	[dreg:$0x2] =	wrdreg s12  }
0xb5: {  	[dreg:$0x3] =	wrdreg s14  }
0xb6: {  	[dreg:$0x4] =	wrdreg $0xC0  }
0xb7: {  	_ =	task [dreg:s16], $0x5FFFF  }
0xb8: {  	[dreg:$0x1] =	wrdreg $0xFFFFFFFF  }
0xb9: {  	[dreg:$0x0] =	wrdreg $0x60  }
0xba: {  	[dreg:$0x2] =	wrdreg s2  }
0xbb: {  	[dreg:$0x3] =	wrdreg s31  }
0xbc: {  	[dreg:$0x4] =	wrdreg s4  }
0xbd: {  	[dreg:$0x5] =	wrdreg s6  }
0xbe: {  	[dreg:$0x6] =	wrdreg s7  }
0xbf: {  	[dreg:$0x7] =	wrdreg s8  }
0xc0: {  	[dreg:$0x8] =	wrdreg s24  }
0xc1: {  	[dreg:$0x9] =	wrdreg s10  }
0xc2: {  	[dreg:$0xa] =	wrdreg s18  }
0xc3: {  	[dreg:$0xb] =	wrdreg s11  }
0xc4: {  	[dreg:$0xc] =	wrdreg s17  }
0xc5: {  	[dreg:$0xd] =	wrdreg $0x9  }
0xc6: {  	_ =	task.clear_ibuf [dreg:s16], $0xEFFFF;
	_ =	strace $0x90000046  }
0xc7: {  	s29 =	simm.s32 $0x9;
	_ =	strace $0x80000048  }
0xc8: {  	_ =	swait.ge [sflag:s29], $0x1  }
0xc9: {  	[sflag:s29] =	ssyncadd.s32 $0xFFFFFFFF  }
0xca: {  	_ =	strace $0x90000048  }
0xcb: {  	_ =	sfence  }
0xcc: {  	s30 =	sld [smem:$0x0];
	_ =	sdelay $0x2  }
0xcd: {  	s31 =	sshll.u32 s1, $0xD;
	s1 =	sshrl.u32 s1, $0x2  }
0xce: {  	s3 =	sand.u32 $0x4000, s31;
	s1 =	sadd.s32 s1, s30  }
0xcf: {  	s0 =	sor.u32 s3, s0;
	s1 =	sshll.u32 s1, $0x11  }
0xd0: {  	s0 =	sor.u32 s1, s0  }
0xd1: {  	s0 =	sadd.s32 $0x8F2B, s0  }
0xd2: {  	[sflag:s0] =	ssyncadd.remote.s32 $0x1  }
0xd3: {  	_ =	sfence.sel $0xFFFF  }
0xd4: {  	[dreg:$0x0] =	wrdreg $0xFFFFFFFF;
	(pc) =	sbr.abs _section_cstart, $3  }
0xd5: {  	[dreg:$0x1] =	wrdreg $0xFFFFFFFF  }
0xd6: {  	_ =	task.clear_ibuf [dreg:s16], $0x2FFFF;
	_ =	strace $0x9FFFFFFF  }
0xd7: {  	(tm) =	ssettm $0x7FFFFFFF  }
tec
execute0_lowered:
.L_overlay_start_1:
0x0: {  	(tag) =	ssettag $0x1  }
0x1: {  	s4 =	rddreg [dreg:$0x0]  }
0x2: {  	s10 =	rddreg [dreg:$0x1]  }
0x3: {  	s12 =	rddreg [dreg:$0x2]  }
0x4: {  	s14 =	rddreg [dreg:$0x3]  }
0x5: {  	s16 =	rddreg [dreg:$0x4]  }
0x6: {  	s18 =	rddreg [dreg:$0x5]  }
0x7: {  	s15 =	rddreg [dreg:$0x6]  }
0x8: {  	s1 =	rddreg [dreg:$0x7]  }
0x9: {  	s9 =	rddreg [dreg:$0x8];
	s2 =	srdreg.scid  }
0xa: {  	s11 =	rddreg [dreg:$0x9];
	s0 =	stileid.u32;
	s19 =	sand.u32 $0x1, s2  }
0xb: {  	s13 =	rddreg [dreg:$0xa];
	s5 =	sshll.u32 s0, $0xA;
	s6 =	sshll.u32 s19, $0x9  }
0xc: {  	s3 =	simm.s32 $0x0;
	s2 =	rddreg [dreg:$0xb];
	s17 =	sor.u32 s6, s5  }
0xd: {  	[smem:$0x7FF] =	sst s3;
	s20 =	sshrl.u32 s17, $0x3  }
0xe: {  	_ =	strace $0x80000047;
	s5 =	sadd.s32 s4, s20;
	s4 =	simm.s32 $0x2  }
0xf: {  	[tilespmem:s3], [sflag:$0x2] =	stream.linear.gather [hbm4b:s5+s3], $0x200, $0x38;
	[tilespmem:$0x8200] =	vst v63  }
0x10: {  	_ =	swait.ge [sflag:s4], $0x200  }
0x11: {  	s7 =	simm.s32 $0x200;
	[sflag:s4] =	ssyncset.done $0x0  }
0x12: {  	s8 =	simm.s32 $0x1;
	s6 =	sadd.s32 $0xF43800, s15;
	[sflag:s4] =	ssyncadd.s32 $0xFFFFFE00  }
0x13: {  	[tilespmem:s7], [sflag:$0x1] =	stream.indirect.gather [hbm4b:s6+s7], $0x40, s3, s7, $0xb8;
	[tilespmem:$0x8200] =	vst v63  }
0x14: {  	_ =	swait.ge [sflag:s8], $0x8000  }
0x15: {  	s17 =	sshll.u32 s17, $0x3;
	[sflag:s8] =	ssyncset.done $0x0  }
0x16: {  	s9 =	sadd.s32 s9, s17;
	[sflag:s8] =	ssyncadd.s32 $0xFFFF8000  }
0x17: {  	[hbm4b:s9+s3] =	stream.linear.scatter [tilespmem:s7], [sflag:$0x2], $0x8000, $0x38;
	[tilespmem:$0x8200] =	vst v63  }
0x18: {  	_ =	swait.ge [sflag:s4], $0x8000  }
0x19: {  	[sflag:s4] =	ssyncset.done $0x0  }
0x1a: {  	s10 =	sadd.s32 s10, s20;
	[sflag:s4] =	ssyncadd.s32 $0xFFFF8000  }
0x1b: {  	[tilespmem:s3], [sflag:$0x2] =	stream.linear.gather [hbm4b:s10+s3], $0x200, $0x38;
	[tilespmem:$0x8200] =	vst v63  }
0x1c: {  	_ =	swait.ge [sflag:s4], $0x200  }
0x1d: {  	[sflag:s4] =	ssyncset.done $0x0  }
0x1e: {  	[sflag:s4] =	ssyncadd.s32 $0xFFFFFE00  }
0x1f: {  	[tilespmem:s7], [sflag:$0x1] =	stream.indirect.gather [hbm4b:s1+s7], $0x40, s3, s7, $0xb8;
	[tilespmem:$0x8200] =	vst v63  }
0x20: {  	_ =	swait.ge [sflag:s8], $0x8000  }
0x21: {  	[sflag:s8] =	ssyncset.done $0x0  }
0x22: {  	s11 =	sadd.s32 s11, s17;
	[sflag:s8] =	ssyncadd.s32 $0xFFFF8000  }
0x23: {  	[hbm4b:s11+s3] =	stream.linear.scatter [tilespmem:s7], [sflag:$0x2], $0x8000, $0x38;
	[tilespmem:$0x8200] =	vst v63  }
0x24: {  	_ =	swait.ge [sflag:s4], $0x8000  }
0x25: {  	[sflag:s4] =	ssyncset.done $0x0  }
0x26: {  	s12 =	sadd.s32 s12, s20;
	[sflag:s4] =	ssyncadd.s32 $0xFFFF8000  }
0x27: {  	[tilespmem:s3], [sflag:$0x2] =	stream.linear.gather [hbm4b:s12+s3], $0x200, $0x38;
	[tilespmem:$0x8200] =	vst v63  }
0x28: {  	_ =	swait.ge [sflag:s4], $0x200  }
0x29: {  	[sflag:s4] =	ssyncset.done $0x0  }
0x2a: {  	[sflag:s4] =	ssyncadd.s32 $0xFFFFFE00  }
0x2b: {  	[tilespmem:s7], [sflag:$0x1] =	stream.indirect.gather [hbm4b:s6+s7], $0x40, s3, s7, $0xb8;
	[tilespmem:$0x8200] =	vst v63  }
0x2c: {  	_ =	swait.ge [sflag:s8], $0x8000  }
0x2d: {  	[sflag:s8] =	ssyncset.done $0x0  }
0x2e: {  	s13 =	sadd.s32 s13, s17;
	[sflag:s8] =	ssyncadd.s32 $0xFFFF8000  }
0x2f: {  	[hbm4b:s13+s3] =	stream.linear.scatter [tilespmem:s7], [sflag:$0x2], $0x8000, $0x38;
	[tilespmem:$0x8200] =	vst v63  }
0x30: {  	_ =	swait.ge [sflag:s4], $0x8000  }
0x31: {  	[sflag:s4] =	ssyncset.done $0x0  }
0x32: {  	s14 =	sadd.s32 s14, s20;
	[sflag:s4] =	ssyncadd.s32 $0xFFFF8000  }
0x33: {  	[tilespmem:s3], [sflag:$0x2] =	stream.linear.gather [hbm4b:s14+s3], $0x200, $0x38;
	[tilespmem:$0x8200] =	vst v63  }
0x34: {  	_ =	swait.ge [sflag:s4], $0x200  }
0x35: {  	[sflag:s4] =	ssyncset.done $0x0  }
0x36: {  	[sflag:s4] =	ssyncadd.s32 $0xFFFFFE00  }
0x37: {  	[tilespmem:s7], [sflag:$0x1] =	stream.indirect.gather [hbm4b:s6+s7], $0x40, s3, s7, $0xb8;
	[tilespmem:$0x8200] =	vst v63  }
0x38: {  	_ =	swait.ge [sflag:s8], $0x8000  }
0x39: {  	s21 =	sadd.s32 s17, s15;
	[sflag:s8] =	ssyncset.done $0x0  }
0x3a: {  	s15 =	sadd.s32 $0x1400, s21;
	[sflag:s8] =	ssyncadd.s32 $0xFFFF8000  }
0x3b: {  	[hbm4b:s15+s3] =	stream.linear.scatter [tilespmem:s7], [sflag:$0x2], $0x8000, $0x38;
	[tilespmem:$0x8200] =	vst v63  }
0x3c: {  	_ =	swait.ge [sflag:s4], $0x8000  }
0x3d: {  	[sflag:s4] =	ssyncset.done $0x0  }
0x3e: {  	s16 =	sadd.s32 s16, s20;
	[sflag:s4] =	ssyncadd.s32 $0xFFFF8000  }
0x3f: {  	[tilespmem:s3], [sflag:$0x2] =	stream.linear.gather [hbm4b:s16+s3], $0x200, $0x38;
	[tilespmem:$0x8200] =	vst v63  }
0x40: {  	_ =	swait.ge [sflag:s4], $0x200  }
0x41: {  	[sflag:s4] =	ssyncset.done $0x0  }
0x42: {  	[sflag:s4] =	ssyncadd.s32 $0xFFFFFE00  }
0x43: {  	[tilespmem:s7], [sflag:$0x1] =	stream.indirect.gather [hbm4b:s1+s7], $0x40, s3, s7, $0xb8;
	[tilespmem:$0x8200] =	vst v63  }
0x44: {  	_ =	swait.ge [sflag:s8], $0x8000  }
0x45: {  	[sflag:s8] =	ssyncset.done $0x0  }
0x46: {  	s17 =	sadd.s32 $0x21400, s21;
	[sflag:s8] =	ssyncadd.s32 $0xFFFF8000  }
0x47: {  	[hbm4b:s17+s3] =	stream.linear.scatter [tilespmem:s7], [sflag:$0x2], $0x8000, $0x38;
	[tilespmem:$0x8200] =	vst v63  }
0x48: {  	_ =	swait.ge [sflag:s4], $0x8000  }
0x49: {  	[sflag:s4] =	ssyncset.done $0x0  }
0x4a: {  	s19 =	ssub.s32 $0x2, s19;
	s18 =	sadd.s32 s18, s20;
	[sflag:s4] =	ssyncadd.s32 $0xFFFF8000  }
0x4b: {  	[tilespmem:s3], [sflag:$0x2] =	stream.linear.gather [hbm4b:s18+s3], $0x200, $0x38;
	[tilespmem:$0x8200] =	vst v63  }
0x4c: {  	s31 =	sshrl.u32 s19, $0x1;
	_ =	swait.ge [sflag:s4], $0x200  }
0x4d: {  	s20 =	ssub.s32 s19, s31;
	[sflag:s4] =	ssyncset.done $0x0  }
0x4e: {  	s20 =	smax.u32 s20, $0x1;
	[sflag:s4] =	ssyncadd.s32 $0xFFFFFE00  }
0x4f: {  	[tilespmem:s7], [sflag:$0x1] =	stream.indirect.gather [hbm4b:s6+s7], $0x40, s3, s7, $0xb8;
	[tilespmem:$0x8200] =	vst v63  }
0x50: {  	p0 =	sne.s32 s20, $0x1;
	_ =	swait.ge [sflag:s8], $0x8000  }
.Ltmp0:
0x51: {  	[sflag:s8] =	ssyncset.done $0x0;
	(pc) =	sbr.rel @!p0 .LBB2_2-.Ltmp0, $4  }
0x52: {  	s19 =	sadd.s32 $0x41400, s21;
	[sflag:s8] =	ssyncadd.s32 $0xFFFF8000  }
0x53: {  	[hbm4b:s19+s3] =	stream.linear.scatter [tilespmem:s7], [sflag:$0x2], $0x8000, $0x38;
	[tilespmem:$0x8200] =	vst v63  }
0x54: {  	_ =	swait.ge [sflag:s4], $0x8000  }
0x55: {  	s20 =	sadd.s32 $0xFFFFFFFF, s20;
	[sflag:s4] =	ssyncset.done $0x0  }
.LBB2_1:
0x56: {  	p0 =	sne.s32 s20, $0x1;
	s20 =	sadd.s32 $0xFFFFFFFF, s20;
	[sflag:s4] =	ssyncadd.s32 $0xFFFF8000  }
0x57: {  	[tilespmem:s3], [sflag:$0x2] =	stream.linear.gather [hbm4b:s5+s3], $0x200, $0x38;
	[tilespmem:$0x8200] =	vst v63  }
0x58: {  	_ =	swait.ge [sflag:s4], $0x200  }
0x59: {  	[sflag:s4] =	ssyncset.done $0x0  }
0x5a: {  	[sflag:s4] =	ssyncadd.s32 $0xFFFFFE00  }
0x5b: {  	[tilespmem:s7], [sflag:$0x1] =	stream.indirect.gather [hbm4b:s6+s7], $0x40, s3, s7, $0xb8;
	[tilespmem:$0x8200] =	vst v63  }
0x5c: {  	_ =	swait.ge [sflag:s8], $0x8000  }
0x5d: {  	[sflag:s8] =	ssyncset.done $0x0  }
0x5e: {  	[sflag:s8] =	ssyncadd.s32 $0xFFFF8000  }
0x5f: {  	[hbm4b:s9+s3] =	stream.linear.scatter [tilespmem:s7], [sflag:$0x2], $0x8000, $0x38;
	[tilespmem:$0x8200] =	vst v63  }
0x60: {  	_ =	swait.ge [sflag:s4], $0x8000  }
0x61: {  	[sflag:s4] =	ssyncset.done $0x0  }
0x62: {  	[sflag:s4] =	ssyncadd.s32 $0xFFFF8000  }
0x63: {  	[tilespmem:s3], [sflag:$0x2] =	stream.linear.gather [hbm4b:s10+s3], $0x200, $0x38;
	[tilespmem:$0x8200] =	vst v63  }
0x64: {  	_ =	swait.ge [sflag:s4], $0x200  }
0x65: {  	[sflag:s4] =	ssyncset.done $0x0  }
0x66: {  	[sflag:s4] =	ssyncadd.s32 $0xFFFFFE00  }
0x67: {  	[tilespmem:s7], [sflag:$0x1] =	stream.indirect.gather [hbm4b:s1+s7], $0x40, s3, s7, $0xb8;
	[tilespmem:$0x8200] =	vst v63  }
0x68: {  	_ =	swait.ge [sflag:s8], $0x8000  }
0x69: {  	[sflag:s8] =	ssyncset.done $0x0  }
0x6a: {  	[sflag:s8] =	ssyncadd.s32 $0xFFFF8000  }
0x6b: {  	[hbm4b:s11+s3] =	stream.linear.scatter [tilespmem:s7], [sflag:$0x2], $0x8000, $0x38;
	[tilespmem:$0x8200] =	vst v63  }
0x6c: {  	_ =	swait.ge [sflag:s4], $0x8000  }
0x6d: {  	[sflag:s4] =	ssyncset.done $0x0  }
0x6e: {  	[sflag:s4] =	ssyncadd.s32 $0xFFFF8000  }
0x6f: {  	[tilespmem:s3], [sflag:$0x2] =	stream.linear.gather [hbm4b:s12+s3], $0x200, $0x38;
	[tilespmem:$0x8200] =	vst v63  }
0x70: {  	_ =	swait.ge [sflag:s4], $0x200  }
0x71: {  	[sflag:s4] =	ssyncset.done $0x0  }
0x72: {  	[sflag:s4] =	ssyncadd.s32 $0xFFFFFE00  }
0x73: {  	[tilespmem:s7], [sflag:$0x1] =	stream.indirect.gather [hbm4b:s6+s7], $0x40, s3, s7, $0xb8;
	[tilespmem:$0x8200] =	vst v63  }
0x74: {  	_ =	swait.ge [sflag:s8], $0x8000  }
0x75: {  	[sflag:s8] =	ssyncset.done $0x0  }
0x76: {  	[sflag:s8] =	ssyncadd.s32 $0xFFFF8000  }
0x77: {  	[hbm4b:s13+s3] =	stream.linear.scatter [tilespmem:s7], [sflag:$0x2], $0x8000, $0x38;
	[tilespmem:$0x8200] =	vst v63  }
0x78: {  	_ =	swait.ge [sflag:s4], $0x8000  }
0x79: {  	[sflag:s4] =	ssyncset.done $0x0  }
0x7a: {  	[sflag:s4] =	ssyncadd.s32 $0xFFFF8000  }
0x7b: {  	[tilespmem:s3], [sflag:$0x2] =	stream.linear.gather [hbm4b:s14+s3], $0x200, $0x38;
	[tilespmem:$0x8200] =	vst v63  }
0x7c: {  	_ =	swait.ge [sflag:s4], $0x200  }
0x7d: {  	[sflag:s4] =	ssyncset.done $0x0  }
0x7e: {  	[sflag:s4] =	ssyncadd.s32 $0xFFFFFE00  }
0x7f: {  	[tilespmem:s7], [sflag:$0x1] =	stream.indirect.gather [hbm4b:s6+s7], $0x40, s3, s7, $0xb8;
	[tilespmem:$0x8200] =	vst v63  }
0x80: {  	_ =	swait.ge [sflag:s8], $0x8000  }
0x81: {  	[sflag:s8] =	ssyncset.done $0x0  }
0x82: {  	[sflag:s8] =	ssyncadd.s32 $0xFFFF8000  }
0x83: {  	[hbm4b:s15+s3] =	stream.linear.scatter [tilespmem:s7], [sflag:$0x2], $0x8000, $0x38;
	[tilespmem:$0x8200] =	vst v63  }
0x84: {  	_ =	swait.ge [sflag:s4], $0x8000  }
0x85: {  	[sflag:s4] =	ssyncset.done $0x0  }
0x86: {  	[sflag:s4] =	ssyncadd.s32 $0xFFFF8000  }
0x87: {  	[tilespmem:s3], [sflag:$0x2] =	stream.linear.gather [hbm4b:s16+s3], $0x200, $0x38;
	[tilespmem:$0x8200] =	vst v63  }
0x88: {  	_ =	swait.ge [sflag:s4], $0x200  }
0x89: {  	[sflag:s4] =	ssyncset.done $0x0  }
0x8a: {  	[sflag:s4] =	ssyncadd.s32 $0xFFFFFE00  }
0x8b: {  	[tilespmem:s7], [sflag:$0x1] =	stream.indirect.gather [hbm4b:s1+s7], $0x40, s3, s7, $0xb8;
	[tilespmem:$0x8200] =	vst v63  }
0x8c: {  	_ =	swait.ge [sflag:s8], $0x8000  }
0x8d: {  	[sflag:s8] =	ssyncset.done $0x0  }
0x8e: {  	[sflag:s8] =	ssyncadd.s32 $0xFFFF8000  }
0x8f: {  	[hbm4b:s17+s3] =	stream.linear.scatter [tilespmem:s7], [sflag:$0x2], $0x8000, $0x38;
	[tilespmem:$0x8200] =	vst v63  }
0x90: {  	_ =	swait.ge [sflag:s4], $0x8000  }
0x91: {  	[sflag:s4] =	ssyncset.done $0x0  }
0x92: {  	[sflag:s4] =	ssyncadd.s32 $0xFFFF8000  }
0x93: {  	[tilespmem:s3], [sflag:$0x2] =	stream.linear.gather [hbm4b:s18+s3], $0x200, $0x38;
	[tilespmem:$0x8200] =	vst v63  }
0x94: {  	_ =	swait.ge [sflag:s4], $0x200  }
0x95: {  	[sflag:s4] =	ssyncset.done $0x0  }
0x96: {  	[sflag:s4] =	ssyncadd.s32 $0xFFFFFE00  }
0x97: {  	[tilespmem:s7], [sflag:$0x1] =	stream.indirect.gather [hbm4b:s6+s7], $0x40, s3, s7, $0xb8;
	[tilespmem:$0x8200] =	vst v63  }
0x98: {  	_ =	swait.ge [sflag:s8], $0x8000  }
.Ltmp1:
0x99: {  	[sflag:s8] =	ssyncset.done $0x0;
	(pc) =	sbr.rel @p0 .LBB2_1-.Ltmp1, $4  }
0x9a: {  	[sflag:s8] =	ssyncadd.s32 $0xFFFF8000  }
0x9b: {  	[hbm4b:s19+s3] =	stream.linear.scatter [tilespmem:s7], [sflag:$0x2], $0x8000, $0x38;
	[tilespmem:$0x8200] =	vst v63  }
0x9c: {  	_ =	swait.ge [sflag:s4], $0x8000  }
0x9d: {  	[sflag:s4] =	ssyncset.done $0x0  }
.LBB2_2:
0x9e: {  	[sflag:s4] =	ssyncadd.s32 $0xFFFF8000  }
0x9f: {  	_ =	sfence.sel $0x180000  }
0xa0: {  	[bflag:$0x0] =	sbarrier.arrive $0xFFFF  }
0xa1: {  	p0 =	sne.s32 s0, $0x0;
	_ =	strace $0x90000047  }
0xa2: {  	s0 =	sadd.s32 @!p0 $0x100000, s2;
	[bflag:$0x2] =	sbarrier.arrive $0xFFFF  }
0xa3: {  	[sflag:s0] =	ssyncadd.tile.s32 @!p0 $0x1;
	_ =	shalt  }
.Lfunc_end2:
_tile_overlayer_lowered:
.L_overlay_start_2:
0xa4: {  	(tag) =	ssettag $0x2  }
0xa5: {  	s0 =	rddreg [dreg:$0x0];
	s2 =	stileid.u32  }
0xa6: {  	s1 =	rddreg [dreg:$0x1];
	p0 =	sne.s32 s2, $0x0  }
0xa7: {  	s3 =	rddreg [dreg:$0x2];
	[bflag:$0x3] =	sbarrier.arrive $0xFFFF;
	s2 =	simm.s32 @!p0 $0x1C02  }
0xa8: {  	[timem:s3], [sflag:s2] =	dma.local @!p0 [hbm:s0], s1  }
0xa9: {  	s0 =	simm.s32 @!p0 $0x2  }
0xaa: {  	_ =	swait.ge @!p0 [sflag:s0], s1  }
0xab: {  	s1 =	ssub.s32 @!p0 $0x0, s1;
	[sflag:s0] =	ssyncset.done @!p0 $0x0  }
0xac: {  	[sflag:s0] =	ssyncadd.s32 @!p0 s1  }
0xad: {  	[bflag:$0x3] =	sbarrier.arrive $0xFFFF  }
0xae: {  	_ =	shalt  }

</sc_bundles>
